<compile_context>
chip_gen: v7x
topology: tpu7x:2x2x1
jax: 0.10.2.dev20260603
libtpu: 0.0.44.dev20260713+nightly
codegen_flags: <defaults>
</compile_context>

<pallas_src>
import functools

import jax
import jax.numpy as jnp
from jax import lax
from jax.experimental import pallas as pl
from jax.experimental.pallas import tpu as pltpu
from jax.experimental.pallas import tpu_sc as plsc

_SUB = 2


def _make_sc_kernel(batch, seq_len, d_model, dtype):
    info = plsc.get_sparse_core_info()
    nc, ns = info.num_cores, info.num_subcores
    nw = nc * ns
    rows_per_w = seq_len // nw
    sub_rows = rows_per_w // _SUB
    mesh = plsc.VectorSubcoreMesh(core_axis_name="c", subcore_axis_name="s")

    @functools.partial(
        pl.kernel,
        mesh=mesh,
        out_type=jax.ShapeDtypeStruct((batch, seq_len, d_model), dtype),
        scratch_types=[
            pltpu.VMEM((rows_per_w, d_model), dtype),
            pltpu.SemaphoreType.DMA((_SUB,)),
            pltpu.SemaphoreType.DMA((_SUB, batch)),
        ],
    )
    def sc_broadcast(w_hbm, out_hbm, rows_v, in_sems, out_sems):
        wid = lax.axis_index("s") * nc + lax.axis_index("c")
        base = wid * rows_per_w
        ins = []
        for s in range(_SUB):
            cp = pltpu.make_async_copy(
                w_hbm.at[pl.ds(base + s * sub_rows, sub_rows), :],
                rows_v.at[pl.ds(s * sub_rows, sub_rows), :],
                in_sems.at[s],
            )
            cp.start()
            ins.append(cp)
        outs = []
        for s in range(_SUB):
            ins[s].wait()
            for b in range(batch):
                cp = pltpu.make_async_copy(
                    rows_v.at[pl.ds(s * sub_rows, sub_rows), :],
                    out_hbm.at[b, pl.ds(base + s * sub_rows, sub_rows), :],
                    out_sems.at[s, b],
                )
                cp.start()
                outs.append(cp)
        for cp in outs:
            cp.wait()

    return sc_broadcast


def kernel(tokens, W_pos):
    batch, seq_len = tokens.shape
    d_model = W_pos.shape[1]
    sc = _make_sc_kernel(batch, seq_len, d_model, W_pos.dtype)
    return sc(W_pos[:seq_len])

# --- scband reference (transcript-rebuilt; emitter-appended) ---
"""Pipeline reference for scband-pos-embed-1563368095839 (READ-ONLY COPY).

The authoritative reference and input builder live on the scoring server;
editing this copy changes nothing except your own understanding.
"""

import jax, jax.numpy as jnp
import numpy as np

N_CTX = 2048
D_MODEL = 1024
INIT_RANGE = 0.02


def setup_inputs(seed: int = 0) -> dict:
    key = jax.random.key(seed)
    k_tok, k_pos = jax.random.split(key)
    tokens = jax.random.randint(k_tok, (4, 2048), 0, 50257, dtype=jnp.int64 if jax.config.jax_enable_x64 else jnp.int32)
    W_pos = jax.random.normal(k_pos, (N_CTX, D_MODEL), dtype=jnp.float32) * INIT_RANGE
    return {"tokens": tokens, "W_pos": W_pos}


def reference(tokens, W_pos):
    # PosEmbed.forward with past_kv_pos_offset = 0
    batch, seq_len = tokens.shape
    pos = W_pos[0:seq_len]  # gather / slice of positional table
    # einops.repeat 'seq d_model -> batch seq d_model'
    out = jnp.broadcast_to(pos[None, :, :], (batch, seq_len, W_pos.shape[1]))
    return out

if __name__ == "__main__":
    import jax
    _d = setup_inputs()
    print(jax.jit(kernel)(*tuple(_d.values())))

</pallas_src>

<mosaic_0001>
#map = affine_map<(d0, d1) -> (0, 0)>
#map1 = affine_map<(d0, d1) -> (0, 0, 0)>
module attributes {stable_mosaic.version = 14 : i64} {
  func.func @sc_broadcast(%arg0: i32, %arg1: i32, %arg2: memref<2048x1024xf32, #tpu.memory_space<hbm>>, %arg3: memref<4x2048x1024xf32, #tpu.memory_space<hbm>>, %arg4: memref<64x1024xf32, #tpu.memory_space<vmem>>, %arg5: memref<2x!tpu.dma_semaphore, #tpu.memory_space<semaphore_mem>>, %arg6: memref<2x4x!tpu.dma_semaphore, #tpu.memory_space<semaphore_mem>>) attributes {dimension_semantics = [#tpu.dimension_semantics<core_parallel>, #tpu.dimension_semantics<subcore_parallel>], iteration_bounds = array<i64: 2, 16>, scalar_prefetch = 0 : i64, scratch_operands = 3 : i64, tpu.core_type = #tpu.core_type<sc_vector_subcore>, window_params = [{transform_indices = #map}, {transform_indices = #map1}]} {
    %mul3A = arith.constant 2 : i32
    %mul3A_0 = arith.muli %arg1, %mul3A : i32
    %add3A = arith.addi %mul3A_0, %arg0 : i32
    %mul3A_1 = arith.constant 64 : i32
    %mul3A_2 = arith.muli %add3A, %mul3A_1 : i32
    %add3A_3 = arith.constant 0 : i32
    %add3A_4 = arith.addi %mul3A_2, %add3A_3 : i32
    %dma_start3A = arith.constant 0 : i32
    %dma_start3A_5 = arith.constant 0 : i32
    %dma_start3A_6 = arith.constant 0 : i32
    %dma_start3A_7 = tpu.memref_slice %arg4[%dma_start3A_5, %dma_start3A_6] : memref<64x1024xf32, #tpu.memory_space<vmem>> -> memref<32x1024xf32, #tpu.memory_space<vmem>>
    %dma_start3A_8 = arith.constant 0 : i32
    %dma_start3A_9 = tpu.memref_slice %arg2[%add3A_4, %dma_start3A_8] : memref<2048x1024xf32, #tpu.memory_space<hbm>> -> memref<32x1024xf32, #tpu.memory_space<hbm>>
    %dma_start3A_10 = tpu.memref_slice %arg5[%dma_start3A] : memref<2x!tpu.dma_semaphore, #tpu.memory_space<semaphore_mem>> -> memref<1x!tpu.dma_semaphore, #tpu.memory_space<semaphore_mem>>
    %dma_start3A_11 = tpu.memref_squeeze %dma_start3A_10 : memref<1x!tpu.dma_semaphore, #tpu.memory_space<semaphore_mem>> -> memref<!tpu.dma_semaphore, #tpu.memory_space<semaphore_mem>>
    %dma_start3A_12 = arith.constant 0 : i32
    %dma_start3A_13 = arith.constant 0 : i32
    %dma_start3A_14 = tpu.memref_slice %arg4[%dma_start3A_12, %dma_start3A_13] : memref<64x1024xf32, #tpu.memory_space<vmem>> -> memref<32x1024xf32, #tpu.memory_space<vmem>>
    %dma_start3A_15 = arith.constant 0 : i32
    %dma_start3A_16 = tpu.memref_slice %arg2[%add3A_4, %dma_start3A_15] : memref<2048x1024xf32, #tpu.memory_space<hbm>> -> memref<32x1024xf32, #tpu.memory_space<hbm>>
    tpu.enqueue_dma source(%dma_start3A_16 : memref<32x1024xf32, #tpu.memory_space<hbm>>) target(%dma_start3A_14 : memref<32x1024xf32, #tpu.memory_space<vmem>>) target_semaphore(%dma_start3A_11 : memref<!tpu.dma_semaphore, #tpu.memory_space<semaphore_mem>>)
    %add3A_17 = arith.constant 32 : i32
    %add3A_18 = arith.addi %mul3A_2, %add3A_17 : i32
    %dma_start3A_19 = arith.constant 1 : i32
    %dma_start3A_20 = arith.constant 32 : i32
    %dma_start3A_21 = arith.constant 0 : i32
    %dma_start3A_22 = tpu.memref_slice %arg4[%dma_start3A_20, %dma_start3A_21] : memref<64x1024xf32, #tpu.memory_space<vmem>> -> memref<32x1024xf32, #tpu.memory_space<vmem>>
    %dma_start3A_23 = arith.constant 0 : i32
    %dma_start3A_24 = tpu.memref_slice %arg2[%add3A_18, %dma_start3A_23] : memref<2048x1024xf32, #tpu.memory_space<hbm>> -> memref<32x1024xf32, #tpu.memory_space<hbm>>
    %dma_start3A_25 = tpu.memref_slice %arg5[%dma_start3A_19] : memref<2x!tpu.dma_semaphore, #tpu.memory_space<semaphore_mem>> -> memref<1x!tpu.dma_semaphore, #tpu.memory_space<semaphore_mem>>
    %dma_start3A_26 = tpu.memref_squeeze %dma_start3A_25 : memref<1x!tpu.dma_semaphore, #tpu.memory_space<semaphore_mem>> -> memref<!tpu.dma_semaphore, #tpu.memory_space<semaphore_mem>>
    %dma_start3A_27 = arith.constant 32 : i32
    %dma_start3A_28 = arith.constant 0 : i32
    %dma_start3A_29 = tpu.memref_slice %arg4[%dma_start3A_27, %dma_start3A_28] : memref<64x1024xf32, #tpu.memory_space<vmem>> -> memref<32x1024xf32, #tpu.memory_space<vmem>>
    %dma_start3A_30 = arith.constant 0 : i32
    %dma_start3A_31 = tpu.memref_slice %arg2[%add3A_18, %dma_start3A_30] : memref<2048x1024xf32, #tpu.memory_space<hbm>> -> memref<32x1024xf32, #tpu.memory_space<hbm>>
    tpu.enqueue_dma source(%dma_start3A_31 : memref<32x1024xf32, #tpu.memory_space<hbm>>) target(%dma_start3A_29 : memref<32x1024xf32, #tpu.memory_space<vmem>>) target_semaphore(%dma_start3A_26 : memref<!tpu.dma_semaphore, #tpu.memory_space<semaphore_mem>>)
    %dma_wait3A = arith.constant 0 : i32
    %dma_wait3A_32 = arith.constant 0 : i32
    %dma_wait3A_33 = arith.constant 0 : i32
    %dma_wait3A_34 = tpu.memref_slice %arg4[%dma_wait3A_32, %dma_wait3A_33] : memref<64x1024xf32, #tpu.memory_space<vmem>> -> memref<32x1024xf32, #tpu.memory_space<vmem>>
    %dma_wait3A_35 = arith.constant 0 : i32
    %dma_wait3A_36 = tpu.memref_slice %arg2[%add3A_4, %dma_wait3A_35] : memref<2048x1024xf32, #tpu.memory_space<hbm>> -> memref<32x1024xf32, #tpu.memory_space<hbm>>
    %dma_wait3A_37 = tpu.memref_slice %arg5[%dma_wait3A] : memref<2x!tpu.dma_semaphore, #tpu.memory_space<semaphore_mem>> -> memref<1x!tpu.dma_semaphore, #tpu.memory_space<semaphore_mem>>
    %dma_wait3A_38 = tpu.memref_squeeze %dma_wait3A_37 : memref<1x!tpu.dma_semaphore, #tpu.memory_space<semaphore_mem>> -> memref<!tpu.dma_semaphore, #tpu.memory_space<semaphore_mem>>
    %dma_wait3A_39 = arith.constant 0 : i32
    %dma_wait3A_40 = arith.constant 0 : i32
    %dma_wait3A_41 = tpu.memref_slice %arg4[%dma_wait3A_39, %dma_wait3A_40] : memref<64x1024xf32, #tpu.memory_space<vmem>> -> memref<32x1024xf32, #tpu.memory_space<vmem>>
    %dma_wait3A_42 = arith.constant 0 : i32
    %dma_wait3A_43 = tpu.memref_slice %arg2[%add3A_4, %dma_wait3A_42] : memref<2048x1024xf32, #tpu.memory_space<hbm>> -> memref<32x1024xf32, #tpu.memory_space<hbm>>
    tpu.wait_dma2 semaphore(%dma_wait3A_38 : memref<!tpu.dma_semaphore, #tpu.memory_space<semaphore_mem>>) src(%dma_wait3A_43 : memref<32x1024xf32, #tpu.memory_space<hbm>>) dst(%dma_wait3A_41 : memref<32x1024xf32, #tpu.memory_space<vmem>>)
    %add3A_44 = arith.constant 0 : i32
    %add3A_45 = arith.addi %mul3A_2, %add3A_44 : i32
    %dma_start3A_46 = arith.constant 0 : i32
    %dma_start3A_47 = arith.constant 0 : i32
    %dma_start3A_48 = arith.constant 0 : i32
    %dma_start3A_49 = arith.constant 0 : i32
    %dma_start3A_50 = arith.constant 0 : i32
    %dma_start3A_51 = tpu.memref_slice %arg4[%dma_start3A_49, %dma_start3A_50] : memref<64x1024xf32, #tpu.memory_space<vmem>> -> memref<32x1024xf32, #tpu.memory_space<vmem>>
    %dma_start3A_52 = arith.constant 0 : i32
    %dma_start3A_53 = tpu.memref_slice %arg3[%dma_start3A_46, %add3A_45, %dma_start3A_52] : memref<4x2048x1024xf32, #tpu.memory_space<hbm>> -> memref<1x32x1024xf32, #tpu.memory_space<hbm>>
    %dma_start3A_54 = tpu.memref_squeeze %dma_start3A_53 : memref<1x32x1024xf32, #tpu.memory_space<hbm>> -> memref<32x1024xf32, #tpu.memory_space<hbm>>
    %dma_start3A_55 = tpu.memref_slice %arg6[%dma_start3A_47, %dma_start3A_48] : memref<2x4x!tpu.dma_semaphore, #tpu.memory_space<semaphore_mem>> -> memref<1x1x!tpu.dma_semaphore, #tpu.memory_space<semaphore_mem>>
    %dma_start3A_56 = tpu.memref_squeeze %dma_start3A_55 : memref<1x1x!tpu.dma_semaphore, #tpu.memory_space<semaphore_mem>> -> memref<!tpu.dma_semaphore, #tpu.memory_space<semaphore_mem>>
    %dma_start3A_57 = arith.constant 0 : i32
    %dma_start3A_58 = tpu.memref_slice %arg3[%dma_start3A_46, %add3A_45, %dma_start3A_57] : memref<4x2048x1024xf32, #tpu.memory_space<hbm>> -> memref<1x32x1024xf32, #tpu.memory_space<hbm>>
    %dma_start3A_59 = tpu.memref_squeeze %dma_start3A_58 : memref<1x32x1024xf32, #tpu.memory_space<hbm>> -> memref<32x1024xf32, #tpu.memory_space<hbm>>
    %dma_start3A_60 = arith.constant 0 : i32
    %dma_start3A_61 = arith.constant 0 : i32
    %dma_start3A_62 = tpu.memref_slice %arg4[%dma_start3A_60, %dma_start3A_61] : memref<64x1024xf32, #tpu.memory_space<vmem>> -> memref<32x1024xf32, #tpu.memory_space<vmem>>
    tpu.enqueue_dma source(%dma_start3A_62 : memref<32x1024xf32, #tpu.memory_space<vmem>>) target(%dma_start3A_59 : memref<32x1024xf32, #tpu.memory_space<hbm>>) target_semaphore(%dma_start3A_56 : memref<!tpu.dma_semaphore, #tpu.memory_space<semaphore_mem>>)
    %add3A_63 = arith.constant 0 : i32
    %add3A_64 = arith.addi %mul3A_2, %add3A_63 : i32
    %dma_start3A_65 = arith.constant 1 : i32
    %dma_start3A_66 = arith.constant 0 : i32
    %dma_start3A_67 = arith.constant 1 : i32
    %dma_start3A_68 = arith.constant 0 : i32
    %dma_start3A_69 = arith.constant 0 : i32
    %dma_start3A_70 = tpu.memref_slice %arg4[%dma_start3A_68, %dma_start3A_69] : memref<64x1024xf32, #tpu.memory_space<vmem>> -> memref<32x1024xf32, #tpu.memory_space<vmem>>
    %dma_start3A_71 = arith.constant 0 : i32
    %dma_start3A_72 = tpu.memref_slice %arg3[%dma_start3A_65, %add3A_64, %dma_start3A_71] : memref<4x2048x1024xf32, #tpu.memory_space<hbm>> -> memref<1x32x1024xf32, #tpu.memory_space<hbm>>
    %dma_start3A_73 = tpu.memref_squeeze %dma_start3A_72 : memref<1x32x1024xf32, #tpu.memory_space<hbm>> -> memref<32x1024xf32, #tpu.memory_space<hbm>>
    %dma_start3A_74 = tpu.memref_slice %arg6[%dma_start3A_66, %dma_start3A_67] : memref<2x4x!tpu.dma_semaphore, #tpu.memory_space<semaphore_mem>> -> memref<1x1x!tpu.dma_semaphore, #tpu.memory_space<semaphore_mem>>
    %dma_start3A_75 = tpu.memref_squeeze %dma_start3A_74 : memref<1x1x!tpu.dma_semaphore, #tpu.memory_space<semaphore_mem>> -> memref<!tpu.dma_semaphore, #tpu.memory_space<semaphore_mem>>
    %dma_start3A_76 = arith.constant 0 : i32
    %dma_start3A_77 = tpu.memref_slice %arg3[%dma_start3A_65, %add3A_64, %dma_start3A_76] : memref<4x2048x1024xf32, #tpu.memory_space<hbm>> -> memref<1x32x1024xf32, #tpu.memory_space<hbm>>
    %dma_start3A_78 = tpu.memref_squeeze %dma_start3A_77 : memref<1x32x1024xf32, #tpu.memory_space<hbm>> -> memref<32x1024xf32, #tpu.memory_space<hbm>>
    %dma_start3A_79 = arith.constant 0 : i32
    %dma_start3A_80 = arith.constant 0 : i32
    %dma_start3A_81 = tpu.memref_slice %arg4[%dma_start3A_79, %dma_start3A_80] : memref<64x1024xf32, #tpu.memory_space<vmem>> -> memref<32x1024xf32, #tpu.memory_space<vmem>>
    tpu.enqueue_dma source(%dma_start3A_81 : memref<32x1024xf32, #tpu.memory_space<vmem>>) target(%dma_start3A_78 : memref<32x1024xf32, #tpu.memory_space<hbm>>) target_semaphore(%dma_start3A_75 : memref<!tpu.dma_semaphore, #tpu.memory_space<semaphore_mem>>)
    %add3A_82 = arith.constant 0 : i32
    %add3A_83 = arith.addi %mul3A_2, %add3A_82 : i32
    %dma_start3A_84 = arith.constant 2 : i32
    %dma_start3A_85 = arith.constant 0 : i32
    %dma_start3A_86 = arith.constant 2 : i32
    %dma_start3A_87 = arith.constant 0 : i32
    %dma_start3A_88 = arith.constant 0 : i32
    %dma_start3A_89 = tpu.memref_slice %arg4[%dma_start3A_87, %dma_start3A_88] : memref<64x1024xf32, #tpu.memory_space<vmem>> -> memref<32x1024xf32, #tpu.memory_space<vmem>>
    %dma_start3A_90 = arith.constant 0 : i32
    %dma_start3A_91 = tpu.memref_slice %arg3[%dma_start3A_84, %add3A_83, %dma_start3A_90] : memref<4x2048x1024xf32, #tpu.memory_space<hbm>> -> memref<1x32x1024xf32, #tpu.memory_space<hbm>>
    %dma_start3A_92 = tpu.memref_squeeze %dma_start3A_91 : memref<1x32x1024xf32, #tpu.memory_space<hbm>> -> memref<32x1024xf32, #tpu.memory_space<hbm>>
    %dma_start3A_93 = tpu.memref_slice %arg6[%dma_start3A_85, %dma_start3A_86] : memref<2x4x!tpu.dma_semaphore, #tpu.memory_space<semaphore_mem>> -> memref<1x1x!tpu.dma_semaphore, #tpu.memory_space<semaphore_mem>>
    %dma_start3A_94 = tpu.memref_squeeze %dma_start3A_93 : memref<1x1x!tpu.dma_semaphore, #tpu.memory_space<semaphore_mem>> -> memref<!tpu.dma_semaphore, #tpu.memory_space<semaphore_mem>>
    %dma_start3A_95 = arith.constant 0 : i32
    %dma_start3A_96 = tpu.memref_slice %arg3[%dma_start3A_84, %add3A_83, %dma_start3A_95] : memref<4x2048x1024xf32, #tpu.memory_space<hbm>> -> memref<1x32x1024xf32, #tpu.memory_space<hbm>>
    %dma_start3A_97 = tpu.memref_squeeze %dma_start3A_96 : memref<1x32x1024xf32, #tpu.memory_space<hbm>> -> memref<32x1024xf32, #tpu.memory_space<hbm>>
    %dma_start3A_98 = arith.constant 0 : i32
    %dma_start3A_99 = arith.constant 0 : i32
    %dma_start3A_100 = tpu.memref_slice %arg4[%dma_start3A_98, %dma_start3A_99] : memref<64x1024xf32, #tpu.memory_space<vmem>> -> memref<32x1024xf32, #tpu.memory_space<vmem>>
    tpu.enqueue_dma source(%dma_start3A_100 : memref<32x1024xf32, #tpu.memory_space<vmem>>) target(%dma_start3A_97 : memref<32x1024xf32, #tpu.memory_space<hbm>>) target_semaphore(%dma_start3A_94 : memref<!tpu.dma_semaphore, #tpu.memory_space<semaphore_mem>>)
    %add3A_101 = arith.constant 0 : i32
    %add3A_102 = arith.addi %mul3A_2, %add3A_101 : i32
    %dma_start3A_103 = arith.constant 3 : i32
    %dma_start3A_104 = arith.constant 0 : i32
    %dma_start3A_105 = arith.constant 3 : i32
    %dma_start3A_106 = arith.constant 0 : i32
    %dma_start3A_107 = arith.constant 0 : i32
    %dma_start3A_108 = tpu.memref_slice %arg4[%dma_start3A_106, %dma_start3A_107] : memref<64x1024xf32, #tpu.memory_space<vmem>> -> memref<32x1024xf32, #tpu.memory_space<vmem>>
    %dma_start3A_109 = arith.constant 0 : i32
    %dma_start3A_110 = tpu.memref_slice %arg3[%dma_start3A_103, %add3A_102, %dma_start3A_109] : memref<4x2048x1024xf32, #tpu.memory_space<hbm>> -> memref<1x32x1024xf32, #tpu.memory_space<hbm>>
    %dma_start3A_111 = tpu.memref_squeeze %dma_start3A_110 : memref<1x32x1024xf32, #tpu.memory_space<hbm>> -> memref<32x1024xf32, #tpu.memory_space<hbm>>
    %dma_start3A_112 = tpu.memref_slice %arg6[%dma_start3A_104, %dma_start3A_105] : memref<2x4x!tpu.dma_semaphore, #tpu.memory_space<semaphore_mem>> -> memref<1x1x!tpu.dma_semaphore, #tpu.memory_space<semaphore_mem>>
    %dma_start3A_113 = tpu.memref_squeeze %dma_start3A_112 : memref<1x1x!tpu.dma_semaphore, #tpu.memory_space<semaphore_mem>> -> memref<!tpu.dma_semaphore, #tpu.memory_space<semaphore_mem>>
    %dma_start3A_114 = arith.constant 0 : i32
    %dma_start3A_115 = tpu.memref_slice %arg3[%dma_start3A_103, %add3A_102, %dma_start3A_114] : memref<4x2048x1024xf32, #tpu.memory_space<hbm>> -> memref<1x32x1024xf32, #tpu.memory_space<hbm>>
    %dma_start3A_116 = tpu.memref_squeeze %dma_start3A_115 : memref<1x32x1024xf32, #tpu.memory_space<hbm>> -> memref<32x1024xf32, #tpu.memory_space<hbm>>
    %dma_start3A_117 = arith.constant 0 : i32
    %dma_start3A_118 = arith.constant 0 : i32
    %dma_start3A_119 = tpu.memref_slice %arg4[%dma_start3A_117, %dma_start3A_118] : memref<64x1024xf32, #tpu.memory_space<vmem>> -> memref<32x1024xf32, #tpu.memory_space<vmem>>
    tpu.enqueue_dma source(%dma_start3A_119 : memref<32x1024xf32, #tpu.memory_space<vmem>>) target(%dma_start3A_116 : memref<32x1024xf32, #tpu.memory_space<hbm>>) target_semaphore(%dma_start3A_113 : memref<!tpu.dma_semaphore, #tpu.memory_space<semaphore_mem>>)
    %dma_wait3A_120 = arith.constant 1 : i32
    %dma_wait3A_121 = arith.constant 32 : i32
    %dma_wait3A_122 = arith.constant 0 : i32
    %dma_wait3A_123 = tpu.memref_slice %arg4[%dma_wait3A_121, %dma_wait3A_122] : memref<64x1024xf32, #tpu.memory_space<vmem>> -> memref<32x1024xf32, #tpu.memory_space<vmem>>
    %dma_wait3A_124 = arith.constant 0 : i32
    %dma_wait3A_125 = tpu.memref_slice %arg2[%add3A_18, %dma_wait3A_124] : memref<2048x1024xf32, #tpu.memory_space<hbm>> -> memref<32x1024xf32, #tpu.memory_space<hbm>>
    %dma_wait3A_126 = tpu.memref_slice %arg5[%dma_wait3A_120] : memref<2x!tpu.dma_semaphore, #tpu.memory_space<semaphore_mem>> -> memref<1x!tpu.dma_semaphore, #tpu.memory_space<semaphore_mem>>
    %dma_wait3A_127 = tpu.memref_squeeze %dma_wait3A_126 : memref<1x!tpu.dma_semaphore, #tpu.memory_space<semaphore_mem>> -> memref<!tpu.dma_semaphore, #tpu.memory_space<semaphore_mem>>
    %dma_wait3A_128 = arith.constant 32 : i32
    %dma_wait3A_129 = arith.constant 0 : i32
    %dma_wait3A_130 = tpu.memref_slice %arg4[%dma_wait3A_128, %dma_wait3A_129] : memref<64x1024xf32, #tpu.memory_space<vmem>> -> memref<32x1024xf32, #tpu.memory_space<vmem>>
    %dma_wait3A_131 = arith.constant 0 : i32
    %dma_wait3A_132 = tpu.memref_slice %arg2[%add3A_18, %dma_wait3A_131] : memref<2048x1024xf32, #tpu.memory_space<hbm>> -> memref<32x1024xf32, #tpu.memory_space<hbm>>
    tpu.wait_dma2 semaphore(%dma_wait3A_127 : memref<!tpu.dma_semaphore, #tpu.memory_space<semaphore_mem>>) src(%dma_wait3A_132 : memref<32x1024xf32, #tpu.memory_space<hbm>>) dst(%dma_wait3A_130 : memref<32x1024xf32, #tpu.memory_space<vmem>>)
    %add3A_133 = arith.constant 32 : i32
    %add3A_134 = arith.addi %mul3A_2, %add3A_133 : i32
    %dma_start3A_135 = arith.constant 0 : i32
    %dma_start3A_136 = arith.constant 1 : i32
    %dma_start3A_137 = arith.constant 0 : i32
    %dma_start3A_138 = arith.constant 32 : i32
    %dma_start3A_139 = arith.constant 0 : i32
    %dma_start3A_140 = tpu.memref_slice %arg4[%dma_start3A_138, %dma_start3A_139] : memref<64x1024xf32, #tpu.memory_space<vmem>> -> memref<32x1024xf32, #tpu.memory_space<vmem>>
    %dma_start3A_141 = arith.constant 0 : i32
    %dma_start3A_142 = tpu.memref_slice %arg3[%dma_start3A_135, %add3A_134, %dma_start3A_141] : memref<4x2048x1024xf32, #tpu.memory_space<hbm>> -> memref<1x32x1024xf32, #tpu.memory_space<hbm>>
    %dma_start3A_143 = tpu.memref_squeeze %dma_start3A_142 : memref<1x32x1024xf32, #tpu.memory_space<hbm>> -> memref<32x1024xf32, #tpu.memory_space<hbm>>
    %dma_start3A_144 = tpu.memref_slice %arg6[%dma_start3A_136, %dma_start3A_137] : memref<2x4x!tpu.dma_semaphore, #tpu.memory_space<semaphore_mem>> -> memref<1x1x!tpu.dma_semaphore, #tpu.memory_space<semaphore_mem>>
    %dma_start3A_145 = tpu.memref_squeeze %dma_start3A_144 : memref<1x1x!tpu.dma_semaphore, #tpu.memory_space<semaphore_mem>> -> memref<!tpu.dma_semaphore, #tpu.memory_space<semaphore_mem>>
    %dma_start3A_146 = arith.constant 0 : i32
    %dma_start3A_147 = tpu.memref_slice %arg3[%dma_start3A_135, %add3A_134, %dma_start3A_146] : memref<4x2048x1024xf32, #tpu.memory_space<hbm>> -> memref<1x32x1024xf32, #tpu.memory_space<hbm>>
    %dma_start3A_148 = tpu.memref_squeeze %dma_start3A_147 : memref<1x32x1024xf32, #tpu.memory_space<hbm>> -> memref<32x1024xf32, #tpu.memory_space<hbm>>
    %dma_start3A_149 = arith.constant 32 : i32
    %dma_start3A_150 = arith.constant 0 : i32
    %dma_start3A_151 = tpu.memref_slice %arg4[%dma_start3A_149, %dma_start3A_150] : memref<64x1024xf32, #tpu.memory_space<vmem>> -> memref<32x1024xf32, #tpu.memory_space<vmem>>
    tpu.enqueue_dma source(%dma_start3A_151 : memref<32x1024xf32, #tpu.memory_space<vmem>>) target(%dma_start3A_148 : memref<32x1024xf32, #tpu.memory_space<hbm>>) target_semaphore(%dma_start3A_145 : memref<!tpu.dma_semaphore, #tpu.memory_space<semaphore_mem>>)
    %add3A_152 = arith.constant 32 : i32
    %add3A_153 = arith.addi %mul3A_2, %add3A_152 : i32
    %dma_start3A_154 = arith.constant 1 : i32
    %dma_start3A_155 = arith.constant 1 : i32
    %dma_start3A_156 = arith.constant 1 : i32
    %dma_start3A_157 = arith.constant 32 : i32
    %dma_start3A_158 = arith.constant 0 : i32
    %dma_start3A_159 = tpu.memref_slice %arg4[%dma_start3A_157, %dma_start3A_158] : memref<64x1024xf32, #tpu.memory_space<vmem>> -> memref<32x1024xf32, #tpu.memory_space<vmem>>
    %dma_start3A_160 = arith.constant 0 : i32
    %dma_start3A_161 = tpu.memref_slice %arg3[%dma_start3A_154, %add3A_153, %dma_start3A_160] : memref<4x2048x1024xf32, #tpu.memory_space<hbm>> -> memref<1x32x1024xf32, #tpu.memory_space<hbm>>
    %dma_start3A_162 = tpu.memref_squeeze %dma_start3A_161 : memref<1x32x1024xf32, #tpu.memory_space<hbm>> -> memref<32x1024xf32, #tpu.memory_space<hbm>>
    %dma_start3A_163 = tpu.memref_slice %arg6[%dma_start3A_155, %dma_start3A_156] : memref<2x4x!tpu.dma_semaphore, #tpu.memory_space<semaphore_mem>> -> memref<1x1x!tpu.dma_semaphore, #tpu.memory_space<semaphore_mem>>
    %dma_start3A_164 = tpu.memref_squeeze %dma_start3A_163 : memref<1x1x!tpu.dma_semaphore, #tpu.memory_space<semaphore_mem>> -> memref<!tpu.dma_semaphore, #tpu.memory_space<semaphore_mem>>
    %dma_start3A_165 = arith.constant 0 : i32
    %dma_start3A_166 = tpu.memref_slice %arg3[%dma_start3A_154, %add3A_153, %dma_start3A_165] : memref<4x2048x1024xf32, #tpu.memory_space<hbm>> -> memref<1x32x1024xf32, #tpu.memory_space<hbm>>
    %dma_start3A_167 = tpu.memref_squeeze %dma_start3A_166 : memref<1x32x1024xf32, #tpu.memory_space<hbm>> -> memref<32x1024xf32, #tpu.memory_space<hbm>>
    %dma_start3A_168 = arith.constant 32 : i32
    %dma_start3A_169 = arith.constant 0 : i32
    %dma_start3A_170 = tpu.memref_slice %arg4[%dma_start3A_168, %dma_start3A_169] : memref<64x1024xf32, #tpu.memory_space<vmem>> -> memref<32x1024xf32, #tpu.memory_space<vmem>>
    tpu.enqueue_dma source(%dma_start3A_170 : memref<32x1024xf32, #tpu.memory_space<vmem>>) target(%dma_start3A_167 : memref<32x1024xf32, #tpu.memory_space<hbm>>) target_semaphore(%dma_start3A_164 : memref<!tpu.dma_semaphore, #tpu.memory_space<semaphore_mem>>)
    %add3A_171 = arith.constant 32 : i32
    %add3A_172 = arith.addi %mul3A_2, %add3A_171 : i32
    %dma_start3A_173 = arith.constant 2 : i32
    %dma_start3A_174 = arith.constant 1 : i32
    %dma_start3A_175 = arith.constant 2 : i32
    %dma_start3A_176 = arith.constant 32 : i32
    %dma_start3A_177 = arith.constant 0 : i32
    %dma_start3A_178 = tpu.memref_slice %arg4[%dma_start3A_176, %dma_start3A_177] : memref<64x1024xf32, #tpu.memory_space<vmem>> -> memref<32x1024xf32, #tpu.memory_space<vmem>>
    %dma_start3A_179 = arith.constant 0 : i32
    %dma_start3A_180 = tpu.memref_slice %arg3[%dma_start3A_173, %add3A_172, %dma_start3A_179] : memref<4x2048x1024xf32, #tpu.memory_space<hbm>> -> memref<1x32x1024xf32, #tpu.memory_space<hbm>>
    %dma_start3A_181 = tpu.memref_squeeze %dma_start3A_180 : memref<1x32x1024xf32, #tpu.memory_space<hbm>> -> memref<32x1024xf32, #tpu.memory_space<hbm>>
    %dma_start3A_182 = tpu.memref_slice %arg6[%dma_start3A_174, %dma_start3A_175] : memref<2x4x!tpu.dma_semaphore, #tpu.memory_space<semaphore_mem>> -> memref<1x1x!tpu.dma_semaphore, #tpu.memory_space<semaphore_mem>>
    %dma_start3A_183 = tpu.memref_squeeze %dma_start3A_182 : memref<1x1x!tpu.dma_semaphore, #tpu.memory_space<semaphore_mem>> -> memref<!tpu.dma_semaphore, #tpu.memory_space<semaphore_mem>>
    %dma_start3A_184 = arith.constant 0 : i32
    %dma_start3A_185 = tpu.memref_slice %arg3[%dma_start3A_173, %add3A_172, %dma_start3A_184] : memref<4x2048x1024xf32, #tpu.memory_space<hbm>> -> memref<1x32x1024xf32, #tpu.memory_space<hbm>>
    %dma_start3A_186 = tpu.memref_squeeze %dma_start3A_185 : memref<1x32x1024xf32, #tpu.memory_space<hbm>> -> memref<32x1024xf32, #tpu.memory_space<hbm>>
    %dma_start3A_187 = arith.constant 32 : i32
    %dma_start3A_188 = arith.constant 0 : i32
    %dma_start3A_189 = tpu.memref_slice %arg4[%dma_start3A_187, %dma_start3A_188] : memref<64x1024xf32, #tpu.memory_space<vmem>> -> memref<32x1024xf32, #tpu.memory_space<vmem>>
    tpu.enqueue_dma source(%dma_start3A_189 : memref<32x1024xf32, #tpu.memory_space<vmem>>) target(%dma_start3A_186 : memref<32x1024xf32, #tpu.memory_space<hbm>>) target_semaphore(%dma_start3A_183 : memref<!tpu.dma_semaphore, #tpu.memory_space<semaphore_mem>>)
    %add3A_190 = arith.constant 32 : i32
    %add3A_191 = arith.addi %mul3A_2, %add3A_190 : i32
    %dma_start3A_192 = arith.constant 3 : i32
    %dma_start3A_193 = arith.constant 1 : i32
    %dma_start3A_194 = arith.constant 3 : i32
    %dma_start3A_195 = arith.constant 32 : i32
    %dma_start3A_196 = arith.constant 0 : i32
    %dma_start3A_197 = tpu.memref_slice %arg4[%dma_start3A_195, %dma_start3A_196] : memref<64x1024xf32, #tpu.memory_space<vmem>> -> memref<32x1024xf32, #tpu.memory_space<vmem>>
    %dma_start3A_198 = arith.constant 0 : i32
    %dma_start3A_199 = tpu.memref_slice %arg3[%dma_start3A_192, %add3A_191, %dma_start3A_198] : memref<4x2048x1024xf32, #tpu.memory_space<hbm>> -> memref<1x32x1024xf32, #tpu.memory_space<hbm>>
    %dma_start3A_200 = tpu.memref_squeeze %dma_start3A_199 : memref<1x32x1024xf32, #tpu.memory_space<hbm>> -> memref<32x1024xf32, #tpu.memory_space<hbm>>
    %dma_start3A_201 = tpu.memref_slice %arg6[%dma_start3A_193, %dma_start3A_194] : memref<2x4x!tpu.dma_semaphore, #tpu.memory_space<semaphore_mem>> -> memref<1x1x!tpu.dma_semaphore, #tpu.memory_space<semaphore_mem>>
    %dma_start3A_202 = tpu.memref_squeeze %dma_start3A_201 : memref<1x1x!tpu.dma_semaphore, #tpu.memory_space<semaphore_mem>> -> memref<!tpu.dma_semaphore, #tpu.memory_space<semaphore_mem>>
    %dma_start3A_203 = arith.constant 0 : i32
    %dma_start3A_204 = tpu.memref_slice %arg3[%dma_start3A_192, %add3A_191, %dma_start3A_203] : memref<4x2048x1024xf32, #tpu.memory_space<hbm>> -> memref<1x32x1024xf32, #tpu.memory_space<hbm>>
    %dma_start3A_205 = tpu.memref_squeeze %dma_start3A_204 : memref<1x32x1024xf32, #tpu.memory_space<hbm>> -> memref<32x1024xf32, #tpu.memory_space<hbm>>
    %dma_start3A_206 = arith.constant 32 : i32
    %dma_start3A_207 = arith.constant 0 : i32
    %dma_start3A_208 = tpu.memref_slice %arg4[%dma_start3A_206, %dma_start3A_207] : memref<64x1024xf32, #tpu.memory_space<vmem>> -> memref<32x1024xf32, #tpu.memory_space<vmem>>
    tpu.enqueue_dma source(%dma_start3A_208 : memref<32x1024xf32, #tpu.memory_space<vmem>>) target(%dma_start3A_205 : memref<32x1024xf32, #tpu.memory_space<hbm>>) target_semaphore(%dma_start3A_202 : memref<!tpu.dma_semaphore, #tpu.memory_space<semaphore_mem>>)
    %dma_wait3A_209 = arith.constant 0 : i32
    %dma_wait3A_210 = arith.constant 0 : i32
    %dma_wait3A_211 = arith.constant 0 : i32
    %dma_wait3A_212 = arith.constant 0 : i32
    %dma_wait3A_213 = arith.constant 0 : i32
    %dma_wait3A_214 = tpu.memref_slice %arg4[%dma_wait3A_212, %dma_wait3A_213] : memref<64x1024xf32, #tpu.memory_space<vmem>> -> memref<32x1024xf32, #tpu.memory_space<vmem>>
    %dma_wait3A_215 = arith.constant 0 : i32
    %dma_wait3A_216 = tpu.memref_slice %arg3[%dma_wait3A_209, %add3A_45, %dma_wait3A_215] : memref<4x2048x1024xf32, #tpu.memory_space<hbm>> -> memref<1x32x1024xf32, #tpu.memory_space<hbm>>
    %dma_wait3A_217 = tpu.memref_squeeze %dma_wait3A_216 : memref<1x32x1024xf32, #tpu.memory_space<hbm>> -> memref<32x1024xf32, #tpu.memory_space<hbm>>
    %dma_wait3A_218 = tpu.memref_slice %arg6[%dma_wait3A_210, %dma_wait3A_211] : memref<2x4x!tpu.dma_semaphore, #tpu.memory_space<semaphore_mem>> -> memref<1x1x!tpu.dma_semaphore, #tpu.memory_space<semaphore_mem>>
    %dma_wait3A_219 = tpu.memref_squeeze %dma_wait3A_218 : memref<1x1x!tpu.dma_semaphore, #tpu.memory_space<semaphore_mem>> -> memref<!tpu.dma_semaphore, #tpu.memory_space<semaphore_mem>>
    %dma_wait3A_220 = arith.constant 0 : i32
    %dma_wait3A_221 = tpu.memref_slice %arg3[%dma_wait3A_209, %add3A_45, %dma_wait3A_220] : memref<4x2048x1024xf32, #tpu.memory_space<hbm>> -> memref<1x32x1024xf32, #tpu.memory_space<hbm>>
    %dma_wait3A_222 = tpu.memref_squeeze %dma_wait3A_221 : memref<1x32x1024xf32, #tpu.memory_space<hbm>> -> memref<32x1024xf32, #tpu.memory_space<hbm>>
    %dma_wait3A_223 = arith.constant 0 : i32
    %dma_wait3A_224 = arith.constant 0 : i32
    %dma_wait3A_225 = tpu.memref_slice %arg4[%dma_wait3A_223, %dma_wait3A_224] : memref<64x1024xf32, #tpu.memory_space<vmem>> -> memref<32x1024xf32, #tpu.memory_space<vmem>>
    tpu.wait_dma2 semaphore(%dma_wait3A_219 : memref<!tpu.dma_semaphore, #tpu.memory_space<semaphore_mem>>) src(%dma_wait3A_225 : memref<32x1024xf32, #tpu.memory_space<vmem>>) dst(%dma_wait3A_222 : memref<32x1024xf32, #tpu.memory_space<hbm>>)
    %dma_wait3A_226 = arith.constant 1 : i32
    %dma_wait3A_227 = arith.constant 0 : i32
    %dma_wait3A_228 = arith.constant 1 : i32
    %dma_wait3A_229 = arith.constant 0 : i32
    %dma_wait3A_230 = arith.constant 0 : i32
    %dma_wait3A_231 = tpu.memref_slice %arg4[%dma_wait3A_229, %dma_wait3A_230] : memref<64x1024xf32, #tpu.memory_space<vmem>> -> memref<32x1024xf32, #tpu.memory_space<vmem>>
    %dma_wait3A_232 = arith.constant 0 : i32
    %dma_wait3A_233 = tpu.memref_slice %arg3[%dma_wait3A_226, %add3A_64, %dma_wait3A_232] : memref<4x2048x1024xf32, #tpu.memory_space<hbm>> -> memref<1x32x1024xf32, #tpu.memory_space<hbm>>
    %dma_wait3A_234 = tpu.memref_squeeze %dma_wait3A_233 : memref<1x32x1024xf32, #tpu.memory_space<hbm>> -> memref<32x1024xf32, #tpu.memory_space<hbm>>
    %dma_wait3A_235 = tpu.memref_slice %arg6[%dma_wait3A_227, %dma_wait3A_228] : memref<2x4x!tpu.dma_semaphore, #tpu.memory_space<semaphore_mem>> -> memref<1x1x!tpu.dma_semaphore, #tpu.memory_space<semaphore_mem>>
    %dma_wait3A_236 = tpu.memref_squeeze %dma_wait3A_235 : memref<1x1x!tpu.dma_semaphore, #tpu.memory_space<semaphore_mem>> -> memref<!tpu.dma_semaphore, #tpu.memory_space<semaphore_mem>>
    %dma_wait3A_237 = arith.constant 0 : i32
    %dma_wait3A_238 = tpu.memref_slice %arg3[%dma_wait3A_226, %add3A_64, %dma_wait3A_237] : memref<4x2048x1024xf32, #tpu.memory_space<hbm>> -> memref<1x32x1024xf32, #tpu.memory_space<hbm>>
    %dma_wait3A_239 = tpu.memref_squeeze %dma_wait3A_238 : memref<1x32x1024xf32, #tpu.memory_space<hbm>> -> memref<32x1024xf32, #tpu.memory_space<hbm>>
    %dma_wait3A_240 = arith.constant 0 : i32
    %dma_wait3A_241 = arith.constant 0 : i32
    %dma_wait3A_242 = tpu.memref_slice %arg4[%dma_wait3A_240, %dma_wait3A_241] : memref<64x1024xf32, #tpu.memory_space<vmem>> -> memref<32x1024xf32, #tpu.memory_space<vmem>>
    tpu.wait_dma2 semaphore(%dma_wait3A_236 : memref<!tpu.dma_semaphore, #tpu.memory_space<semaphore_mem>>) src(%dma_wait3A_242 : memref<32x1024xf32, #tpu.memory_space<vmem>>) dst(%dma_wait3A_239 : memref<32x1024xf32, #tpu.memory_space<hbm>>)
    %dma_wait3A_243 = arith.constant 2 : i32
    %dma_wait3A_244 = arith.constant 0 : i32
    %dma_wait3A_245 = arith.constant 2 : i32
    %dma_wait3A_246 = arith.constant 0 : i32
    %dma_wait3A_247 = arith.constant 0 : i32
    %dma_wait3A_248 = tpu.memref_slice %arg4[%dma_wait3A_246, %dma_wait3A_247] : memref<64x1024xf32, #tpu.memory_space<vmem>> -> memref<32x1024xf32, #tpu.memory_space<vmem>>
    %dma_wait3A_249 = arith.constant 0 : i32
    %dma_wait3A_250 = tpu.memref_slice %arg3[%dma_wait3A_243, %add3A_83, %dma_wait3A_249] : memref<4x2048x1024xf32, #tpu.memory_space<hbm>> -> memref<1x32x1024xf32, #tpu.memory_space<hbm>>
    %dma_wait3A_251 = tpu.memref_squeeze %dma_wait3A_250 : memref<1x32x1024xf32, #tpu.memory_space<hbm>> -> memref<32x1024xf32, #tpu.memory_space<hbm>>
    %dma_wait3A_252 = tpu.memref_slice %arg6[%dma_wait3A_244, %dma_wait3A_245] : memref<2x4x!tpu.dma_semaphore, #tpu.memory_space<semaphore_mem>> -> memref<1x1x!tpu.dma_semaphore, #tpu.memory_space<semaphore_mem>>
    %dma_wait3A_253 = tpu.memref_squeeze %dma_wait3A_252 : memref<1x1x!tpu.dma_semaphore, #tpu.memory_space<semaphore_mem>> -> memref<!tpu.dma_semaphore, #tpu.memory_space<semaphore_mem>>
    %dma_wait3A_254 = arith.constant 0 : i32
    %dma_wait3A_255 = tpu.memref_slice %arg3[%dma_wait3A_243, %add3A_83, %dma_wait3A_254] : memref<4x2048x1024xf32, #tpu.memory_space<hbm>> -> memref<1x32x1024xf32, #tpu.memory_space<hbm>>
    %dma_wait3A_256 = tpu.memref_squeeze %dma_wait3A_255 : memref<1x32x1024xf32, #tpu.memory_space<hbm>> -> memref<32x1024xf32, #tpu.memory_space<hbm>>
    %dma_wait3A_257 = arith.constant 0 : i32
    %dma_wait3A_258 = arith.constant 0 : i32
    %dma_wait3A_259 = tpu.memref_slice %arg4[%dma_wait3A_257, %dma_wait3A_258] : memref<64x1024xf32, #tpu.memory_space<vmem>> -> memref<32x1024xf32, #tpu.memory_space<vmem>>
    tpu.wait_dma2 semaphore(%dma_wait3A_253 : memref<!tpu.dma_semaphore, #tpu.memory_space<semaphore_mem>>) src(%dma_wait3A_259 : memref<32x1024xf32, #tpu.memory_space<vmem>>) dst(%dma_wait3A_256 : memref<32x1024xf32, #tpu.memory_space<hbm>>)
    %dma_wait3A_260 = arith.constant 3 : i32
    %dma_wait3A_261 = arith.constant 0 : i32
    %dma_wait3A_262 = arith.constant 3 : i32
    %dma_wait3A_263 = arith.constant 0 : i32
    %dma_wait3A_264 = arith.constant 0 : i32
    %dma_wait3A_265 = tpu.memref_slice %arg4[%dma_wait3A_263, %dma_wait3A_264] : memref<64x1024xf32, #tpu.memory_space<vmem>> -> memref<32x1024xf32, #tpu.memory_space<vmem>>
    %dma_wait3A_266 = arith.constant 0 : i32
    %dma_wait3A_267 = tpu.memref_slice %arg3[%dma_wait3A_260, %add3A_102, %dma_wait3A_266] : memref<4x2048x1024xf32, #tpu.memory_space<hbm>> -> memref<1x32x1024xf32, #tpu.memory_space<hbm>>
    %dma_wait3A_268 = tpu.memref_squeeze %dma_wait3A_267 : memref<1x32x1024xf32, #tpu.memory_space<hbm>> -> memref<32x1024xf32, #tpu.memory_space<hbm>>
    %dma_wait3A_269 = tpu.memref_slice %arg6[%dma_wait3A_261, %dma_wait3A_262] : memref<2x4x!tpu.dma_semaphore, #tpu.memory_space<semaphore_mem>> -> memref<1x1x!tpu.dma_semaphore, #tpu.memory_space<semaphore_mem>>
    %dma_wait3A_270 = tpu.memref_squeeze %dma_wait3A_269 : memref<1x1x!tpu.dma_semaphore, #tpu.memory_space<semaphore_mem>> -> memref<!tpu.dma_semaphore, #tpu.memory_space<semaphore_mem>>
    %dma_wait3A_271 = arith.constant 0 : i32
    %dma_wait3A_272 = tpu.memref_slice %arg3[%dma_wait3A_260, %add3A_102, %dma_wait3A_271] : memref<4x2048x1024xf32, #tpu.memory_space<hbm>> -> memref<1x32x1024xf32, #tpu.memory_space<hbm>>
    %dma_wait3A_273 = tpu.memref_squeeze %dma_wait3A_272 : memref<1x32x1024xf32, #tpu.memory_space<hbm>> -> memref<32x1024xf32, #tpu.memory_space<hbm>>
    %dma_wait3A_274 = arith.constant 0 : i32
    %dma_wait3A_275 = arith.constant 0 : i32
    %dma_wait3A_276 = tpu.memref_slice %arg4[%dma_wait3A_274, %dma_wait3A_275] : memref<64x1024xf32, #tpu.memory_space<vmem>> -> memref<32x1024xf32, #tpu.memory_space<vmem>>
    tpu.wait_dma2 semaphore(%dma_wait3A_270 : memref<!tpu.dma_semaphore, #tpu.memory_space<semaphore_mem>>) src(%dma_wait3A_276 : memref<32x1024xf32, #tpu.memory_space<vmem>>) dst(%dma_wait3A_273 : memref<32x1024xf32, #tpu.memory_space<hbm>>)
    %dma_wait3A_277 = arith.constant 0 : i32
    %dma_wait3A_278 = arith.constant 1 : i32
    %dma_wait3A_279 = arith.constant 0 : i32
    %dma_wait3A_280 = arith.constant 32 : i32
    %dma_wait3A_281 = arith.constant 0 : i32
    %dma_wait3A_282 = tpu.memref_slice %arg4[%dma_wait3A_280, %dma_wait3A_281] : memref<64x1024xf32, #tpu.memory_space<vmem>> -> memref<32x1024xf32, #tpu.memory_space<vmem>>
    %dma_wait3A_283 = arith.constant 0 : i32
    %dma_wait3A_284 = tpu.memref_slice %arg3[%dma_wait3A_277, %add3A_134, %dma_wait3A_283] : memref<4x2048x1024xf32, #tpu.memory_space<hbm>> -> memref<1x32x1024xf32, #tpu.memory_space<hbm>>
    %dma_wait3A_285 = tpu.memref_squeeze %dma_wait3A_284 : memref<1x32x1024xf32, #tpu.memory_space<hbm>> -> memref<32x1024xf32, #tpu.memory_space<hbm>>
    %dma_wait3A_286 = tpu.memref_slice %arg6[%dma_wait3A_278, %dma_wait3A_279] : memref<2x4x!tpu.dma_semaphore, #tpu.memory_space<semaphore_mem>> -> memref<1x1x!tpu.dma_semaphore, #tpu.memory_space<semaphore_mem>>
    %dma_wait3A_287 = tpu.memref_squeeze %dma_wait3A_286 : memref<1x1x!tpu.dma_semaphore, #tpu.memory_space<semaphore_mem>> -> memref<!tpu.dma_semaphore, #tpu.memory_space<semaphore_mem>>
    %dma_wait3A_288 = arith.constant 0 : i32
    %dma_wait3A_289 = tpu.memref_slice %arg3[%dma_wait3A_277, %add3A_134, %dma_wait3A_288] : memref<4x2048x1024xf32, #tpu.memory_space<hbm>> -> memref<1x32x1024xf32, #tpu.memory_space<hbm>>
    %dma_wait3A_290 = tpu.memref_squeeze %dma_wait3A_289 : memref<1x32x1024xf32, #tpu.memory_space<hbm>> -> memref<32x1024xf32, #tpu.memory_space<hbm>>
    %dma_wait3A_291 = arith.constant 32 : i32
    %dma_wait3A_292 = arith.constant 0 : i32
    %dma_wait3A_293 = tpu.memref_slice %arg4[%dma_wait3A_291, %dma_wait3A_292] : memref<64x1024xf32, #tpu.memory_space<vmem>> -> memref<32x1024xf32, #tpu.memory_space<vmem>>
    tpu.wait_dma2 semaphore(%dma_wait3A_287 : memref<!tpu.dma_semaphore, #tpu.memory_space<semaphore_mem>>) src(%dma_wait3A_293 : memref<32x1024xf32, #tpu.memory_space<vmem>>) dst(%dma_wait3A_290 : memref<32x1024xf32, #tpu.memory_space<hbm>>)
    %dma_wait3A_294 = arith.constant 1 : i32
    %dma_wait3A_295 = arith.constant 1 : i32
    %dma_wait3A_296 = arith.constant 1 : i32
    %dma_wait3A_297 = arith.constant 32 : i32
    %dma_wait3A_298 = arith.constant 0 : i32
    %dma_wait3A_299 = tpu.memref_slice %arg4[%dma_wait3A_297, %dma_wait3A_298] : memref<64x1024xf32, #tpu.memory_space<vmem>> -> memref<32x1024xf32, #tpu.memory_space<vmem>>
    %dma_wait3A_300 = arith.constant 0 : i32
    %dma_wait3A_301 = tpu.memref_slice %arg3[%dma_wait3A_294, %add3A_153, %dma_wait3A_300] : memref<4x2048x1024xf32, #tpu.memory_space<hbm>> -> memref<1x32x1024xf32, #tpu.memory_space<hbm>>
    %dma_wait3A_302 = tpu.memref_squeeze %dma_wait3A_301 : memref<1x32x1024xf32, #tpu.memory_space<hbm>> -> memref<32x1024xf32, #tpu.memory_space<hbm>>
    %dma_wait3A_303 = tpu.memref_slice %arg6[%dma_wait3A_295, %dma_wait3A_296] : memref<2x4x!tpu.dma_semaphore, #tpu.memory_space<semaphore_mem>> -> memref<1x1x!tpu.dma_semaphore, #tpu.memory_space<semaphore_mem>>
    %dma_wait3A_304 = tpu.memref_squeeze %dma_wait3A_303 : memref<1x1x!tpu.dma_semaphore, #tpu.memory_space<semaphore_mem>> -> memref<!tpu.dma_semaphore, #tpu.memory_space<semaphore_mem>>
    %dma_wait3A_305 = arith.constant 0 : i32
    %dma_wait3A_306 = tpu.memref_slice %arg3[%dma_wait3A_294, %add3A_153, %dma_wait3A_305] : memref<4x2048x1024xf32, #tpu.memory_space<hbm>> -> memref<1x32x1024xf32, #tpu.memory_space<hbm>>
    %dma_wait3A_307 = tpu.memref_squeeze %dma_wait3A_306 : memref<1x32x1024xf32, #tpu.memory_space<hbm>> -> memref<32x1024xf32, #tpu.memory_space<hbm>>
    %dma_wait3A_308 = arith.constant 32 : i32
    %dma_wait3A_309 = arith.constant 0 : i32
    %dma_wait3A_310 = tpu.memref_slice %arg4[%dma_wait3A_308, %dma_wait3A_309] : memref<64x1024xf32, #tpu.memory_space<vmem>> -> memref<32x1024xf32, #tpu.memory_space<vmem>>
    tpu.wait_dma2 semaphore(%dma_wait3A_304 : memref<!tpu.dma_semaphore, #tpu.memory_space<semaphore_mem>>) src(%dma_wait3A_310 : memref<32x1024xf32, #tpu.memory_space<vmem>>) dst(%dma_wait3A_307 : memref<32x1024xf32, #tpu.memory_space<hbm>>)
    %dma_wait3A_311 = arith.constant 2 : i32
    %dma_wait3A_312 = arith.constant 1 : i32
    %dma_wait3A_313 = arith.constant 2 : i32
    %dma_wait3A_314 = arith.constant 32 : i32
    %dma_wait3A_315 = arith.constant 0 : i32
    %dma_wait3A_316 = tpu.memref_slice %arg4[%dma_wait3A_314, %dma_wait3A_315] : memref<64x1024xf32, #tpu.memory_space<vmem>> -> memref<32x1024xf32, #tpu.memory_space<vmem>>
    %dma_wait3A_317 = arith.constant 0 : i32
    %dma_wait3A_318 = tpu.memref_slice %arg3[%dma_wait3A_311, %add3A_172, %dma_wait3A_317] : memref<4x2048x1024xf32, #tpu.memory_space<hbm>> -> memref<1x32x1024xf32, #tpu.memory_space<hbm>>
    %dma_wait3A_319 = tpu.memref_squeeze %dma_wait3A_318 : memref<1x32x1024xf32, #tpu.memory_space<hbm>> -> memref<32x1024xf32, #tpu.memory_space<hbm>>
    %dma_wait3A_320 = tpu.memref_slice %arg6[%dma_wait3A_312, %dma_wait3A_313] : memref<2x4x!tpu.dma_semaphore, #tpu.memory_space<semaphore_mem>> -> memref<1x1x!tpu.dma_semaphore, #tpu.memory_space<semaphore_mem>>
    %dma_wait3A_321 = tpu.memref_squeeze %dma_wait3A_320 : memref<1x1x!tpu.dma_semaphore, #tpu.memory_space<semaphore_mem>> -> memref<!tpu.dma_semaphore, #tpu.memory_space<semaphore_mem>>
    %dma_wait3A_322 = arith.constant 0 : i32
    %dma_wait3A_323 = tpu.memref_slice %arg3[%dma_wait3A_311, %add3A_172, %dma_wait3A_322] : memref<4x2048x1024xf32, #tpu.memory_space<hbm>> -> memref<1x32x1024xf32, #tpu.memory_space<hbm>>
    %dma_wait3A_324 = tpu.memref_squeeze %dma_wait3A_323 : memref<1x32x1024xf32, #tpu.memory_space<hbm>> -> memref<32x1024xf32, #tpu.memory_space<hbm>>
    %dma_wait3A_325 = arith.constant 32 : i32
    %dma_wait3A_326 = arith.constant 0 : i32
    %dma_wait3A_327 = tpu.memref_slice %arg4[%dma_wait3A_325, %dma_wait3A_326] : memref<64x1024xf32, #tpu.memory_space<vmem>> -> memref<32x1024xf32, #tpu.memory_space<vmem>>
    tpu.wait_dma2 semaphore(%dma_wait3A_321 : memref<!tpu.dma_semaphore, #tpu.memory_space<semaphore_mem>>) src(%dma_wait3A_327 : memref<32x1024xf32, #tpu.memory_space<vmem>>) dst(%dma_wait3A_324 : memref<32x1024xf32, #tpu.memory_space<hbm>>)
    %dma_wait3A_328 = arith.constant 3 : i32
    %dma_wait3A_329 = arith.constant 1 : i32
    %dma_wait3A_330 = arith.constant 3 : i32
    %dma_wait3A_331 = arith.constant 32 : i32
    %dma_wait3A_332 = arith.constant 0 : i32
    %dma_wait3A_333 = tpu.memref_slice %arg4[%dma_wait3A_331, %dma_wait3A_332] : memref<64x1024xf32, #tpu.memory_space<vmem>> -> memref<32x1024xf32, #tpu.memory_space<vmem>>
    %dma_wait3A_334 = arith.constant 0 : i32
    %dma_wait3A_335 = tpu.memref_slice %arg3[%dma_wait3A_328, %add3A_191, %dma_wait3A_334] : memref<4x2048x1024xf32, #tpu.memory_space<hbm>> -> memref<1x32x1024xf32, #tpu.memory_space<hbm>>
    %dma_wait3A_336 = tpu.memref_squeeze %dma_wait3A_335 : memref<1x32x1024xf32, #tpu.memory_space<hbm>> -> memref<32x1024xf32, #tpu.memory_space<hbm>>
    %dma_wait3A_337 = tpu.memref_slice %arg6[%dma_wait3A_329, %dma_wait3A_330] : memref<2x4x!tpu.dma_semaphore, #tpu.memory_space<semaphore_mem>> -> memref<1x1x!tpu.dma_semaphore, #tpu.memory_space<semaphore_mem>>
    %dma_wait3A_338 = tpu.memref_squeeze %dma_wait3A_337 : memref<1x1x!tpu.dma_semaphore, #tpu.memory_space<semaphore_mem>> -> memref<!tpu.dma_semaphore, #tpu.memory_space<semaphore_mem>>
    %dma_wait3A_339 = arith.constant 0 : i32
    %dma_wait3A_340 = tpu.memref_slice %arg3[%dma_wait3A_328, %add3A_191, %dma_wait3A_339] : memref<4x2048x1024xf32, #tpu.memory_space<hbm>> -> memref<1x32x1024xf32, #tpu.memory_space<hbm>>
    %dma_wait3A_341 = tpu.memref_squeeze %dma_wait3A_340 : memref<1x32x1024xf32, #tpu.memory_space<hbm>> -> memref<32x1024xf32, #tpu.memory_space<hbm>>
    %dma_wait3A_342 = arith.constant 32 : i32
    %dma_wait3A_343 = arith.constant 0 : i32
    %dma_wait3A_344 = tpu.memref_slice %arg4[%dma_wait3A_342, %dma_wait3A_343] : memref<64x1024xf32, #tpu.memory_space<vmem>> -> memref<32x1024xf32, #tpu.memory_space<vmem>>
    tpu.wait_dma2 semaphore(%dma_wait3A_338 : memref<!tpu.dma_semaphore, #tpu.memory_space<semaphore_mem>>) src(%dma_wait3A_344 : memref<32x1024xf32, #tpu.memory_space<vmem>>) dst(%dma_wait3A_341 : memref<32x1024xf32, #tpu.memory_space<hbm>>)
    return
  }
}

</mosaic_0001>

<sc_bundles>
// kernel: kernel.3.cloned.1.call-start
scs
__scs_entry_jumppad:
0x0: {  	(pc) =	sbr.rel $0x88, $3  }
0x1: {  	(tag) =	ssettag $0x0;
	lr =	simm.s32 $0x1  }
0x2: {  	[smem:$0x3FA0] =	sst lr;
	_ =	strace $0xD0000000  }
0x3: {  	_ = 	snop  }
0x4: {  	_ = 	snop  }
0x5: {  	_ = 	snop  }
0x6: {  	_ = 	snop  }
0x7: {  	_ = 	snop  }
__scs_overlays_trampoline_lowered:
0x8: {  	[smem:$0x3FAF] =	sst s0  }
0x9: {  	[smem:$0x3FB0] =	sst s1  }
0xa: {  	[smem:$0x3FB1] =	sst s2  }
0xb: {  	[smem:$0x3FB2] =	sst s3  }
0xc: {  	[smem:$0x3FB3] =	sst s4  }
0xd: {  	[smem:$0x3FB4] =	sst s5  }
0xe: {  	[smem:$0x3FB5] =	sst s6  }
0xf: {  	[smem:$0x3FB6] =	sst s7  }
0x10: {  	[smem:$0x3FB7] =	sst s8  }
0x11: {  	[smem:$0x3FB8] =	sst s9;
	s0 =	simm.s32 @!p0 $0x0  }
0x12: {  	s1 =	sld [smem:$0x3F9E];
	s0 =	simm.s32 @p0 $0x1  }
0x13: {  	[smem:$0x3FB9] =	sst s0;
	s0 =	simm.s32 @!p1 $0x0  }
0x14: {  	s2 =	sld [smem:$0x3F9D];
	s0 =	simm.s32 @p1 $0x1  }
0x15: {  	[smem:$0x3FBA] =	sst s0;
	s0 =	simm.s32 @!p2 $0x0  }
0x16: {  	s3 =	sld [smem:$0x3FDB];
	s0 =	simm.s32 @p2 $0x1  }
0x17: {  	s4 =	simm.s32 $0x1BF5;
	[smem:$0x3FBC] =	sst s0  }
0x18: {  	s0 =	sld [smem:$0x3F9F];
	_ =	swait.ge [sflag:s4], $0x0  }
0x19: {  	s7 =	sld [smem:$0x3FA0]  }
0x1a: {  	s8 =	sadd.s32 $0xFFFFE003, lr  }
0x1b: {  	s9 =	sadd.s32 $0xFFFFFEF7, lr;
	s5 =	simm.s32 $0xFFFFFFFF;
	p2 =	slt.u32 s8, $0xFFFFF086  }
0x1c: {  	p1 =	slt.u32 s9, $0xF7A;
	s5 =	simm.s32 @!p2 $0x0  }
0x1d: {  	s5 =	simm.s32 @p1 $0x1;
	p0 =	seq.s32 s7, s2  }
0x1e: {  	s7 =	smul.u32 @!p0 $0xF7A, s2;
	p2 =	seq.s32 @!p0 s5, $0x0  }
0x1f: {  	s9 =	smul.u32 $0xF7A, s1;
	s8 =	simm.s32 @!p0 $0x1BF5;
	p2 =	por !p2, p0  }
0x20: {  	[sflag:s8] =	ssyncset.s32 @!p0 $0xFFFFF086;
	s6 =	sadd.s32 @!p0 s3, s7;
	s7 =	simm.s32 @!p0 $0x108  }
0x21: {  	s3 =	sadd.s32 s3, s9;
	s6 =	sadd.s32 @!p0 $0x88, s6;
	s7 =	simm.s32 @p2 $0x1082  }
0x22: {  	[simem:s7], [sflag:s8] =	dma.local @!p0 [hbm:s6], $0xF7A  }
0x23: {  	s9 =	sor.u32 $0xD0000000, s2;
	s6 =	simm.s32 $0x108;
	_ =	swait.ge @!p0 [sflag:s8], $0x0  }
0x24: {  	s3 =	sadd.s32 $0x88, s3;
	s6 =	simm.s32 @!p1 $0x1082;
	[sflag:s4] =	ssyncset.s32 $0xFFFFF086  }
0x25: {  	[simem:s6], [sflag:s4] =	dma.local [hbm:s3], $0xF7A  }
0x26: {  	[smem:$0x3FA0] =	sst s1;
	(tag) =	ssettag s2;
	_ =	strace s9  }
0x27: {  	s1 =	sld [smem:$0x3FB0]  }
0x28: {  	s2 =	sld [smem:$0x3FB1]  }
0x29: {  	s4 =	sld [smem:$0x3FB3]  }
0x2a: {  	p0 =	seq.s32 s5, $0x0;
	s5 =	sld [smem:$0x3FB4]  }
0x2b: {  	s6 =	sld [smem:$0x3FB5]  }
0x2c: {  	s7 =	sld [smem:$0x3FB6]  }
0x2d: {  	s3 =	simm.s32 $0x108;
	s8 =	sld [smem:$0x3FB7]  }
0x2e: {  	s3 =	simm.s32 @!p0 $0x1082;
	s9 =	sld [smem:$0x3FB8]  }
0x2f: {  	lr =	sadd.s32 s0, s3;
	s0 =	sld [smem:$0x3FAF]  }
0x30: {  	s3 =	sld [smem:$0x3FB2]  }
0x31: {  	[smem:$0x3FBB] =	sst s10  }
0x32: {  	s10 =	sld [smem:$0x3FB9];
	_ =	sdelay $0x3  }
0x33: {  	p0 =	seq.s32 s10, $0x1;
	s10 =	sld [smem:$0x3FBB];
	_ =	sdelay $0x3  }
0x34: {  	[smem:$0x3FBB] =	sst s10  }
0x35: {  	s10 =	sld [smem:$0x3FBA];
	_ =	sdelay $0x3  }
0x36: {  	p1 =	seq.s32 s10, $0x1;
	s10 =	sld [smem:$0x3FBB];
	_ =	sdelay $0x3  }
0x37: {  	[smem:$0x3FBB] =	sst s10  }
0x38: {  	s10 =	sld [smem:$0x3FBC]  }
0x39: {  	_ = 	snop;
	(pc) =	sbr.ind lr, $3  }
0x3a: {  	_ = 	snop  }
0x3b: {  	_ = 	snop  }
0x3c: {  	p2 =	seq.s32 s10, $0x1;
	s10 =	sld [smem:$0x3FBB]  }
0x3d: {  	_ =	shalt  }
0x3e: {  	_ =	shalt  }
0x3f: {  	_ =	shalt  }
0x40: {  	_ =	shalt  }
0x41: {  	_ =	shalt  }
0x42: {  	_ =	shalt  }
0x43: {  	_ =	shalt  }
0x44: {  	_ =	shalt  }
0x45: {  	_ =	shalt  }
0x46: {  	_ =	shalt  }
0x47: {  	_ =	shalt  }
0x48: {  	_ =	shalt  }
0x49: {  	_ =	shalt  }
0x4a: {  	_ =	shalt  }
0x4b: {  	_ =	shalt  }
0x4c: {  	_ =	shalt  }
0x4d: {  	_ =	shalt  }
0x4e: {  	_ =	shalt  }
0x4f: {  	_ =	shalt  }
0x50: {  	_ =	shalt  }
0x51: {  	_ =	shalt  }
0x52: {  	_ =	shalt  }
0x53: {  	_ =	shalt  }
0x54: {  	_ =	shalt  }
0x55: {  	_ =	shalt  }
0x56: {  	_ =	shalt  }
0x57: {  	_ =	shalt  }
0x58: {  	_ =	shalt  }
0x59: {  	_ =	shalt  }
0x5a: {  	_ =	shalt  }
0x5b: {  	_ =	shalt  }
0x5c: {  	_ =	shalt  }
0x5d: {  	_ =	shalt  }
0x5e: {  	_ =	shalt  }
0x5f: {  	_ =	shalt  }
0x60: {  	_ =	shalt  }
0x61: {  	_ =	shalt  }
0x62: {  	_ =	shalt  }
0x63: {  	_ =	shalt  }
0x64: {  	_ =	shalt  }
0x65: {  	_ =	shalt  }
0x66: {  	_ =	shalt  }
0x67: {  	_ =	shalt  }
0x68: {  	_ =	shalt  }
0x69: {  	_ =	shalt  }
0x6a: {  	_ =	shalt  }
0x6b: {  	_ =	shalt  }
0x6c: {  	_ =	shalt  }
0x6d: {  	_ =	shalt  }
0x6e: {  	_ =	shalt  }
0x6f: {  	_ =	shalt  }
0x70: {  	_ =	shalt  }
0x71: {  	_ =	shalt  }
0x72: {  	_ =	shalt  }
0x73: {  	_ =	shalt  }
0x74: {  	_ =	shalt  }
0x75: {  	_ =	shalt  }
0x76: {  	_ =	shalt  }
0x77: {  	_ =	shalt  }
0x78: {  	_ =	shalt  }
0x79: {  	_ =	shalt  }
0x7a: {  	_ =	shalt  }
0x7b: {  	_ =	shalt  }
0x7c: {  	_ =	shalt  }
0x7d: {  	_ =	shalt  }
0x7e: {  	_ =	shalt  }
0x7f: {  	_ =	shalt  }
0x80: {  	_ =	shalt  }
0x81: {  	_ =	shalt  }
0x82: {  	_ =	shalt  }
0x83: {  	_ =	shalt  }
0x84: {  	_ =	shalt  }
0x85: {  	_ =	shalt  }
0x86: {  	_ =	shalt  }
0x87: {  	_ =	shalt  }
.Lfunc_end0:
.L_simem_size_0:
called_computation_lowered:
.L_overlay_start_0:
0x88: {  	s2 =	sld [smem:$0x3FD9]  }
0x89: {  	s3 =	sld [smem:$0x3FFE];
	_ =	sdelay $0x1  }
0x8a: {  	s1 =	srdreg.scid  }
0x8b: {  	s0 =	sand.u32 $0x1, s1  }
0x8c: {  	s18 =	sshll.u32 s0, $0xA;
	s2 =	sadd.s32 s3, s2  }
0x8d: {  	s2 =	sadd.s32 s2, s18  }
0x8e: {  	[smem:$0x3FC7] =	sst s2  }
0x8f: {  	_ = 	snop  }
0x90: {  	s2 =	sld [smem:$0x3FC9]  }
0x91: {  	s19 =	sld [smem:$0x3FD0];
	(tm) =	ssettm $0x1  }
0x92: {  	s4 =	sld [smem:$0x3FFB];
	_ =	sdelay $0x3  }
0x93: {  	_ =	strace s4  }
0x94: {  	s4 =	sld [smem:$0x3FFC];
	_ =	sdelay $0x3  }
0x95: {  	_ =	strace s4  }
0x96: {  	s4 =	sld [smem:$0x3FFD];
	_ =	sdelay $0x3  }
0x97: {  	_ =	strace s4  }
0x98: {  	_ =	strace $0x8FFFFFFF  }
0x99: {  	s20 =	sld [smem:$0x3FDB];
	_ =	sdelay $0x1  }
0x9a: {  	s5 =	simm.s32 $_scs_section_size  }
0x9b: {  	s6 =	simm.s32 $_size__tile_overlayer_lowered;
	s7 =	simm.s32 $_tile_overlayer_lowered  }
0x9c: {  	s23 =	simm.s32 $0x1BFF;
	s22 =	sshll.u32 s7, $0x1;
	s4 =	sadd.s32 s5, s20  }
0x9d: {  	s8 =	simm.s32 $0x0;
	s21 =	sshll.u32 s6, $0x1;
	s6 =	sadd.s32 s22, s4  }
0x9e: {  	[timem:s8], [sflag:s23] =	dma.local [hbm:s6], s21  }
0x9f: {  	_ =	swait.ge [sflag:s23], s21  }
0xa0: {  	s5 =	ssub.s32 $0x0, s21;
	[sflag:s23] =	ssyncset.done $0x0  }
0xa1: {  	[sflag:s23] =	ssyncadd.s32 s5;
	_ =	sdelay $0x1  }
0xa2: {  	s24 =	simm.s32 $0x1B8B  }
0xa3: {  	_ =	swait.ge [sflag:s24], $0x1  }
0xa4: {  	[sflag:s24] =	ssyncset.done $0x0  }
0xa5: {  	s25 =	simm.s32 $0x1B8E;
	[sflag:s24] =	ssyncadd.s32 $0xFFFFFFFF  }
0xa6: {  	s26 =	simm.s32 $execute0_lowered;
	[smem:$0x3FD2] =	sst s25  }
0xa7: {  	s5 =	sshll.u32 s26, $0x1;
	_ =	strace $0x80000046;
	[dreg:$0x1] =	wrdreg $0xFFFFFFFF  }
0xa8: {  	s28 =	simm.s32 $_size_execute0_lowered;
	s4 =	sadd.s32 s4, s5;
	[dreg:$0x0] =	wrdreg $0x0  }
0xa9: {  	s5 =	sshll.u32 s28, $0x1;
	[dreg:$0x2] =	wrdreg s4  }
0xaa: {  	[dreg:$0x3] =	wrdreg s5  }
0xab: {  	[dreg:$0x4] =	wrdreg $0xC0  }
0xac: {  	_ =	task [dreg:s8], $0x5FFFF  }
0xad: {  	[dreg:$0x1] =	wrdreg $0xFFFFFFFF  }
0xae: {  	[dreg:$0x0] =	wrdreg $0x60  }
0xaf: {  	[dreg:$0x2] =	wrdreg s2  }
0xb0: {  	[dreg:$0x3] =	wrdreg s19  }
0xb1: {  	[dreg:$0x4] =	wrdreg $0x9  }
0xb2: {  	_ =	task.clear_ibuf [dreg:s8], $0x5FFFF;
	_ =	strace $0x90000046  }
0xb3: {  	s29 =	simm.s32 $0x9;
	_ =	strace $0x80000048  }
0xb4: {  	_ =	swait.ge [sflag:s29], $0x1  }
0xb5: {  	[sflag:s29] =	ssyncadd.s32 $0xFFFFFFFF  }
0xb6: {  	_ =	strace $0x90000048  }
0xb7: {  	_ =	sfence  }
0xb8: {  	s30 =	sld [smem:$0x0];
	_ =	sdelay $0x2  }
0xb9: {  	s31 =	sshll.u32 s1, $0xD;
	s1 =	sshrl.u32 s1, $0x2  }
0xba: {  	s3 =	sand.u32 $0x4000, s31;
	s1 =	sadd.s32 s1, s30  }
0xbb: {  	s0 =	sor.u32 s3, s0;
	s1 =	sshll.u32 s1, $0x11  }
0xbc: {  	s0 =	sor.u32 s1, s0  }
0xbd: {  	s0 =	sadd.s32 $0x8F2B, s0  }
0xbe: {  	[sflag:s0] =	ssyncadd.remote.s32 $0x1  }
0xbf: {  	_ =	sfence.sel $0xFFFF  }
0xc0: {  	[dreg:$0x0] =	wrdreg $0xFFFFFFFF;
	(pc) =	sbr.abs _section_cstart, $3  }
0xc1: {  	[dreg:$0x1] =	wrdreg $0xFFFFFFFF  }
0xc2: {  	_ =	task.clear_ibuf [dreg:s8], $0x2FFFF;
	_ =	strace $0x9FFFFFFF  }
0xc3: {  	(tm) =	ssettm $0x7FFFFFFF  }
tec
execute0_lowered:
.L_overlay_start_1:
0x0: {  	(tag) =	ssettag $0x1  }
0x1: {  	s4 =	rddreg [dreg:$0x0]  }
0x2: {  	s12 =	rddreg [dreg:$0x1];
	s2 =	srdreg.scid  }
0x3: {  	s0 =	rddreg [dreg:$0x2];
	s1 =	stileid.u32;
	s22 =	sand.u32 $0x1, s2  }
0x4: {  	s2 =	simm.s32 $0x0;
	s3 =	sshll.u32 s1, $0xE;
	s5 =	sshll.u32 s22, $0xD  }
0x5: {  	[smem:$0x7FF] =	sst s2;
	s7 =	sor.u32 s5, s3  }
0x6: {  	_ =	strace $0x80000047;
	s3 =	sadd.s32 s4, s7;
	s13 =	sor.u32 $0x1000, s7  }
0x7: {  	[tilespmem:s2], [sflag:$0x1] =	stream.linear.gather [hbm4b:s3+s2], $0x8000, $0x38;
	[tilespmem:$0x10000] =	vst v63  }
0x8: {  	s6 =	simm.s32 $0x1;
	s5 =	simm.s32 $0x8000;
	s4 =	sadd.s32 s4, s13  }
0x9: {  	[tilespmem:s5], [sflag:$0x2] =	stream.linear.gather [hbm4b:s4+s2], $0x8000, $0x38;
	[tilespmem:$0x10000] =	vst v63  }
0xa: {  	_ =	swait.ge [sflag:s6], $0x8000  }
0xb: {  	[sflag:s6] =	ssyncset.done $0x0  }
0xc: {  	s7 =	sadd.s32 s12, s7;
	[sflag:s6] =	ssyncadd.s32 $0xFFFF8000  }
0xd: {  	[hbm4b:s7+s2] =	stream.linear.scatter [tilespmem:s2], [sflag:$0x3], $0x8000, $0x38;
	[tilespmem:$0x10000] =	vst v63  }
0xe: {  	s8 =	sadd.s32 $0x40000, s7  }
0xf: {  	[hbm4b:s8+s2] =	stream.linear.scatter [tilespmem:s2], [sflag:$0x4], $0x8000, $0x38;
	[tilespmem:$0x10000] =	vst v63  }
0x10: {  	s9 =	sadd.s32 $0x80000, s7  }
0x11: {  	[hbm4b:s9+s2] =	stream.linear.scatter [tilespmem:s2], [sflag:$0x5], $0x8000, $0x38;
	[tilespmem:$0x10000] =	vst v63  }
0x12: {  	s11 =	simm.s32 $0x2;
	s10 =	sadd.s32 $0xC0000, s7  }
0x13: {  	[hbm4b:s10+s2] =	stream.linear.scatter [tilespmem:s2], [sflag:$0x6], $0x8000, $0x38;
	[tilespmem:$0x10000] =	vst v63  }
0x14: {  	_ =	swait.ge [sflag:s11], $0x8000  }
0x15: {  	[sflag:s11] =	ssyncset.done $0x0  }
0x16: {  	s12 =	sadd.s32 s12, s13;
	[sflag:s11] =	ssyncadd.s32 $0xFFFF8000  }
0x17: {  	[hbm4b:s12+s2] =	stream.linear.scatter [tilespmem:s5], [sflag:$0x7], $0x8000, $0x38;
	[tilespmem:$0x10000] =	vst v63  }
0x18: {  	s13 =	sadd.s32 $0x41000, s7  }
0x19: {  	[hbm4b:s13+s2] =	stream.linear.scatter [tilespmem:s5], [sflag:$0x8], $0x8000, $0x38;
	[tilespmem:$0x10000] =	vst v63  }
0x1a: {  	s14 =	sadd.s32 $0x81000, s7  }
0x1b: {  	[hbm4b:s14+s2] =	stream.linear.scatter [tilespmem:s5], [sflag:$0x9], $0x8000, $0x38;
	[tilespmem:$0x10000] =	vst v63  }
0x1c: {  	s16 =	simm.s32 $0x3;
	s15 =	sadd.s32 $0xC1000, s7  }
0x1d: {  	[hbm4b:s15+s2] =	stream.linear.scatter [tilespmem:s5], [sflag:$0xA], $0x8000, $0x38;
	[tilespmem:$0x10000] =	vst v63  }
0x1e: {  	_ =	swait.ge [sflag:s16], $0x8000  }
0x1f: {  	[sflag:s16] =	ssyncset.done $0x0  }
0x20: {  	s17 =	simm.s32 $0x4;
	[sflag:s16] =	ssyncadd.s32 $0xFFFF8000  }
0x21: {  	_ =	swait.ge [sflag:s17], $0x8000  }
0x22: {  	[sflag:s17] =	ssyncset.done $0x0  }
0x23: {  	s18 =	simm.s32 $0x5;
	[sflag:s17] =	ssyncadd.s32 $0xFFFF8000  }
0x24: {  	_ =	swait.ge [sflag:s18], $0x8000  }
0x25: {  	[sflag:s18] =	ssyncset.done $0x0  }
0x26: {  	s19 =	simm.s32 $0x6;
	[sflag:s18] =	ssyncadd.s32 $0xFFFF8000  }
0x27: {  	_ =	swait.ge [sflag:s19], $0x8000  }
0x28: {  	[sflag:s19] =	ssyncset.done $0x0  }
0x29: {  	s20 =	simm.s32 $0x7;
	[sflag:s19] =	ssyncadd.s32 $0xFFFF8000  }
0x2a: {  	_ =	swait.ge [sflag:s20], $0x8000  }
0x2b: {  	s23 =	ssub.s32 $0x2, s22;
	[sflag:s20] =	ssyncset.done $0x0  }
0x2c: {  	s21 =	simm.s32 $0x8;
	s24 =	sshrl.u32 s23, $0x1;
	[sflag:s20] =	ssyncadd.s32 $0xFFFF8000  }
0x2d: {  	s23 =	ssub.s32 s23, s24;
	_ =	swait.ge [sflag:s21], $0x8000  }
0x2e: {  	s24 =	smax.u32 s23, $0x1;
	[sflag:s21] =	ssyncset.done $0x0  }
0x2f: {  	s22 =	simm.s32 $0x9;
	p0 =	sne.s32 s24, $0x1;
	[sflag:s21] =	ssyncadd.s32 $0xFFFF8000  }
.Ltmp0:
0x30: {  	_ =	swait.ge [sflag:s22], $0x8000;
	(pc) =	sbr.rel @!p0 .LBB2_2-.Ltmp0, $4  }
0x31: {  	[sflag:s22] =	ssyncset.done $0x0  }
0x32: {  	s23 =	simm.s32 $0xA;
	[sflag:s22] =	ssyncadd.s32 $0xFFFF8000  }
0x33: {  	_ =	swait.ge [sflag:s23], $0x8000  }
0x34: {  	s24 =	sadd.s32 $0xFFFFFFFF, s24;
	[sflag:s23] =	ssyncset.done $0x0  }
.LBB2_1:
0x35: {  	p0 =	sne.s32 s24, $0x1;
	s24 =	sadd.s32 $0xFFFFFFFF, s24;
	[sflag:s23] =	ssyncadd.s32 $0xFFFF8000  }
0x36: {  	[tilespmem:s2], [sflag:$0x1] =	stream.linear.gather [hbm4b:s3+s2], $0x8000, $0x38;
	[tilespmem:$0x10000] =	vst v63  }
0x37: {  	_ = 	snop  }
0x38: {  	[tilespmem:s5], [sflag:$0x2] =	stream.linear.gather [hbm4b:s4+s2], $0x8000, $0x38;
	[tilespmem:$0x10000] =	vst v63  }
0x39: {  	_ =	swait.ge [sflag:s6], $0x8000  }
0x3a: {  	[sflag:s6] =	ssyncset.done $0x0  }
0x3b: {  	[sflag:s6] =	ssyncadd.s32 $0xFFFF8000  }
0x3c: {  	[hbm4b:s7+s2] =	stream.linear.scatter [tilespmem:s2], [sflag:$0x3], $0x8000, $0x38;
	[tilespmem:$0x10000] =	vst v63  }
0x3d: {  	_ = 	snop  }
0x3e: {  	[hbm4b:s8+s2] =	stream.linear.scatter [tilespmem:s2], [sflag:$0x4], $0x8000, $0x38;
	[tilespmem:$0x10000] =	vst v63  }
0x3f: {  	_ = 	snop  }
0x40: {  	[hbm4b:s9+s2] =	stream.linear.scatter [tilespmem:s2], [sflag:$0x5], $0x8000, $0x38;
	[tilespmem:$0x10000] =	vst v63  }
0x41: {  	_ = 	snop  }
0x42: {  	[hbm4b:s10+s2] =	stream.linear.scatter [tilespmem:s2], [sflag:$0x6], $0x8000, $0x38;
	[tilespmem:$0x10000] =	vst v63  }
0x43: {  	_ =	swait.ge [sflag:s11], $0x8000  }
0x44: {  	[sflag:s11] =	ssyncset.done $0x0  }
0x45: {  	[sflag:s11] =	ssyncadd.s32 $0xFFFF8000  }
0x46: {  	[hbm4b:s12+s2] =	stream.linear.scatter [tilespmem:s5], [sflag:$0x7], $0x8000, $0x38;
	[tilespmem:$0x10000] =	vst v63  }
0x47: {  	_ = 	snop  }
0x48: {  	[hbm4b:s13+s2] =	stream.linear.scatter [tilespmem:s5], [sflag:$0x8], $0x8000, $0x38;
	[tilespmem:$0x10000] =	vst v63  }
0x49: {  	_ = 	snop  }
0x4a: {  	[hbm4b:s14+s2] =	stream.linear.scatter [tilespmem:s5], [sflag:$0x9], $0x8000, $0x38;
	[tilespmem:$0x10000] =	vst v63  }
0x4b: {  	_ = 	snop  }
0x4c: {  	[hbm4b:s15+s2] =	stream.linear.scatter [tilespmem:s5], [sflag:$0xA], $0x8000, $0x38;
	[tilespmem:$0x10000] =	vst v63  }
0x4d: {  	_ =	swait.ge [sflag:s16], $0x8000  }
0x4e: {  	[sflag:s16] =	ssyncset.done $0x0  }
0x4f: {  	[sflag:s16] =	ssyncadd.s32 $0xFFFF8000  }
0x50: {  	_ =	swait.ge [sflag:s17], $0x8000  }
0x51: {  	[sflag:s17] =	ssyncset.done $0x0  }
0x52: {  	[sflag:s17] =	ssyncadd.s32 $0xFFFF8000  }
0x53: {  	_ =	swait.ge [sflag:s18], $0x8000  }
0x54: {  	[sflag:s18] =	ssyncset.done $0x0  }
0x55: {  	[sflag:s18] =	ssyncadd.s32 $0xFFFF8000  }
0x56: {  	_ =	swait.ge [sflag:s19], $0x8000  }
0x57: {  	[sflag:s19] =	ssyncset.done $0x0  }
0x58: {  	[sflag:s19] =	ssyncadd.s32 $0xFFFF8000  }
0x59: {  	_ =	swait.ge [sflag:s20], $0x8000  }
0x5a: {  	[sflag:s20] =	ssyncset.done $0x0  }
0x5b: {  	[sflag:s20] =	ssyncadd.s32 $0xFFFF8000  }
0x5c: {  	_ =	swait.ge [sflag:s21], $0x8000  }
0x5d: {  	[sflag:s21] =	ssyncset.done $0x0  }
0x5e: {  	[sflag:s21] =	ssyncadd.s32 $0xFFFF8000  }
.Ltmp1:
0x5f: {  	_ =	swait.ge [sflag:s22], $0x8000;
	(pc) =	sbr.rel @p0 .LBB2_1-.Ltmp1, $4  }
0x60: {  	[sflag:s22] =	ssyncset.done $0x0  }
0x61: {  	[sflag:s22] =	ssyncadd.s32 $0xFFFF8000  }
0x62: {  	_ =	swait.ge [sflag:s23], $0x8000  }
0x63: {  	[sflag:s23] =	ssyncset.done $0x0  }
.LBB2_2:
0x64: {  	[sflag:s23] =	ssyncadd.s32 $0xFFFF8000  }
0x65: {  	_ =	sfence.sel $0x180000  }
0x66: {  	[bflag:$0x0] =	sbarrier.arrive $0xFFFF  }
0x67: {  	p0 =	sne.s32 s1, $0x0;
	_ =	strace $0x90000047  }
0x68: {  	s0 =	sadd.s32 @!p0 $0x100000, s0;
	[bflag:$0x2] =	sbarrier.arrive $0xFFFF  }
0x69: {  	[sflag:s0] =	ssyncadd.tile.s32 @!p0 $0x1;
	_ =	shalt  }
.Lfunc_end2:
_tile_overlayer_lowered:
.L_overlay_start_2:
0x6a: {  	(tag) =	ssettag $0x2  }
0x6b: {  	s0 =	rddreg [dreg:$0x0];
	s2 =	stileid.u32  }
0x6c: {  	s1 =	rddreg [dreg:$0x1];
	p0 =	sne.s32 s2, $0x0  }
0x6d: {  	s3 =	rddreg [dreg:$0x2];
	[bflag:$0x3] =	sbarrier.arrive $0xFFFF;
	s2 =	simm.s32 @!p0 $0x1C0B  }
0x6e: {  	[timem:s3], [sflag:s2] =	dma.local @!p0 [hbm:s0], s1  }
0x6f: {  	s0 =	simm.s32 @!p0 $0xB  }
0x70: {  	_ =	swait.ge @!p0 [sflag:s0], s1  }
0x71: {  	s1 =	ssub.s32 @!p0 $0x0, s1;
	[sflag:s0] =	ssyncset.done @!p0 $0x0  }
0x72: {  	[sflag:s0] =	ssyncadd.s32 @!p0 s1  }
0x73: {  	[bflag:$0x3] =	sbarrier.arrive $0xFFFF  }
0x74: {  	_ =	shalt  }

</sc_bundles>
